<compile_context>
chip_gen: v7x
topology: tpu7x:2x2x1
jax: 0.10.2.dev20260603
libtpu: 0.0.44.dev20260713+nightly
codegen_flags: <defaults>
</compile_context>

<pallas_src>
import functools

import jax
import jax.numpy as jnp
from jax import lax
from jax.experimental import pallas as pl
from jax.experimental.pallas import tpu as pltpu
from jax.experimental.pallas import tpu_sc as plsc

_INFO = plsc.get_sparse_core_info()
_NC = _INFO.num_cores
_NS = _INFO.num_subcores
_NW = _NC * _NS

_CHUNK = 32
_NBUF = 3


@functools.cache
def _make_copy(n_rows: int, dim: int):
    rows_per_w = n_rows // _NW
    n_chunks = rows_per_w // _CHUNK
    mesh = plsc.VectorSubcoreMesh(core_axis_name="c", subcore_axis_name="s")

    @functools.partial(
        pl.kernel,
        out_type=jax.ShapeDtypeStruct((n_rows, dim), jnp.float32),
        mesh=mesh,
        scratch_types=[
            pltpu.VMEM((_NBUF, _CHUNK, dim), jnp.float32),
            pltpu.SemaphoreType.DMA,
            pltpu.SemaphoreType.DMA,
        ],
    )
    def copy_kernel(table_hbm, out_hbm, buf, ld_sem, st_sem):
        wid = lax.axis_index("s") * _NC + lax.axis_index("c")
        base = wid * rows_per_w

        def load(c):
            return pltpu.make_async_copy(
                table_hbm.at[pl.ds(base + c * _CHUNK, _CHUNK)],
                buf.at[lax.rem(c, _NBUF) if not isinstance(c, int) else c % _NBUF],
                ld_sem,
            )

        def store(c):
            return pltpu.make_async_copy(
                buf.at[lax.rem(c, _NBUF) if not isinstance(c, int) else c % _NBUF],
                out_hbm.at[pl.ds(base + c * _CHUNK, _CHUNK)],
                st_sem,
            )

        load(0).start()
        load(1).start()

        def body(c, carry):
            @pl.when(jnp.logical_and(c >= 1, c + 2 < n_chunks))
            def _():
                store(c - 1).wait()

            @pl.when(c + 2 < n_chunks)
            def _():
                load(c + 2).start()

            load(c).wait()
            store(c).start()
            return carry

        lax.fori_loop(0, n_chunks, body, 0)
        for _ in range(min(_NBUF, n_chunks)):
            store(0).wait()

    return copy_kernel


def kernel(x, position_embeddings):
    n_rows = x.shape[1]
    dim = position_embeddings.shape[1]
    return _make_copy(n_rows, dim)(position_embeddings)

# --- scband reference (transcript-rebuilt; emitter-appended) ---
"""Pipeline reference for scband-nnembedding-encoding-42185168781436 (READ-ONLY COPY).

The authoritative reference and input builder live on the scoring server;
editing this copy changes nothing except your own understanding.
"""

import jax, jax.numpy as jnp
import numpy as np

DIM = 1024
MAX_LEN = 8192

def setup_inputs(seed: int = 0) -> dict:
    key = jax.random.key(seed)
    k1, k2 = jax.random.split(key)
    x = jax.random.normal(k1, (4, 8192, DIM), dtype=jnp.float32)
    # nn.Embedding default init: N(0, 1)
    position_embeddings = jax.random.normal(k2, (MAX_LEN, DIM), dtype=jnp.float32)
    return {"x": x, "position_embeddings": position_embeddings}

def reference(x, position_embeddings):
    # x is a tensor: use its second dim as the sequence length
    x_size = x.shape[1]
    position_ids = jnp.arange(x_size, dtype=jnp.int32)
    out = jnp.take(position_embeddings, position_ids, axis=0)
    return out

if __name__ == "__main__":
    import jax
    _d = setup_inputs()
    print(jax.jit(kernel)(*tuple(_d.values())))

</pallas_src>

<mosaic_0001>
#map = affine_map<(d0, d1) -> (0, 0)>
module attributes {stable_mosaic.version = 14 : i64} {
  func.func @copy_kernel(%arg0: i32, %arg1: i32, %arg2: memref<8192x1024xf32, #tpu.memory_space<hbm>>, %arg3: memref<8192x1024xf32, #tpu.memory_space<hbm>>, %arg4: memref<3x32x1024xf32, #tpu.memory_space<vmem>>, %arg5: memref<!tpu.dma_semaphore, #tpu.memory_space<semaphore_mem>>, %arg6: memref<!tpu.dma_semaphore, #tpu.memory_space<semaphore_mem>>) attributes {dimension_semantics = [#tpu.dimension_semantics<core_parallel>, #tpu.dimension_semantics<subcore_parallel>], iteration_bounds = array<i64: 2, 16>, scalar_prefetch = 0 : i64, scratch_operands = 3 : i64, tpu.core_type = #tpu.core_type<sc_vector_subcore>, window_params = [{transform_indices = #map}, {transform_indices = #map}]} {
    %mul3A = arith.constant 2 : i32
    %mul3A_0 = arith.muli %arg1, %mul3A : i32
    %add3A = arith.addi %mul3A_0, %arg0 : i32
    %mul3A_1 = arith.constant 256 : i32
    %mul3A_2 = arith.muli %add3A, %mul3A_1 : i32
    %add3A_3 = arith.constant 0 : i32
    %add3A_4 = arith.addi %mul3A_2, %add3A_3 : i32
    %dma_start3A = arith.constant 0 : i32
    %dma_start3A_5 = arith.constant 0 : i32
    %dma_start3A_6 = arith.constant 0 : i32
    %dma_start3A_7 = tpu.memref_slice %arg4[%dma_start3A, %dma_start3A_5, %dma_start3A_6] : memref<3x32x1024xf32, #tpu.memory_space<vmem>> -> memref<1x32x1024xf32, #tpu.memory_space<vmem>>
    %dma_start3A_8 = tpu.memref_squeeze %dma_start3A_7 : memref<1x32x1024xf32, #tpu.memory_space<vmem>> -> memref<32x1024xf32, #tpu.memory_space<vmem>>
    %dma_start3A_9 = arith.constant 0 : i32
    %dma_start3A_10 = tpu.memref_slice %arg2[%add3A_4, %dma_start3A_9] : memref<8192x1024xf32, #tpu.memory_space<hbm>> -> memref<32x1024xf32, #tpu.memory_space<hbm>>
    %dma_start3A_11 = arith.constant 0 : i32
    %dma_start3A_12 = arith.constant 0 : i32
    %dma_start3A_13 = tpu.memref_slice %arg4[%dma_start3A, %dma_start3A_11, %dma_start3A_12] : memref<3x32x1024xf32, #tpu.memory_space<vmem>> -> memref<1x32x1024xf32, #tpu.memory_space<vmem>>
    %dma_start3A_14 = tpu.memref_squeeze %dma_start3A_13 : memref<1x32x1024xf32, #tpu.memory_space<vmem>> -> memref<32x1024xf32, #tpu.memory_space<vmem>>
    %dma_start3A_15 = arith.constant 0 : i32
    %dma_start3A_16 = tpu.memref_slice %arg2[%add3A_4, %dma_start3A_15] : memref<8192x1024xf32, #tpu.memory_space<hbm>> -> memref<32x1024xf32, #tpu.memory_space<hbm>>
    tpu.enqueue_dma source(%dma_start3A_16 : memref<32x1024xf32, #tpu.memory_space<hbm>>) target(%dma_start3A_14 : memref<32x1024xf32, #tpu.memory_space<vmem>>) target_semaphore(%arg5 : memref<!tpu.dma_semaphore, #tpu.memory_space<semaphore_mem>>)
    %add3A_17 = arith.constant 32 : i32
    %add3A_18 = arith.addi %mul3A_2, %add3A_17 : i32
    %dma_start3A_19 = arith.constant 1 : i32
    %dma_start3A_20 = arith.constant 0 : i32
    %dma_start3A_21 = arith.constant 0 : i32
    %dma_start3A_22 = tpu.memref_slice %arg4[%dma_start3A_19, %dma_start3A_20, %dma_start3A_21] : memref<3x32x1024xf32, #tpu.memory_space<vmem>> -> memref<1x32x1024xf32, #tpu.memory_space<vmem>>
    %dma_start3A_23 = tpu.memref_squeeze %dma_start3A_22 : memref<1x32x1024xf32, #tpu.memory_space<vmem>> -> memref<32x1024xf32, #tpu.memory_space<vmem>>
    %dma_start3A_24 = arith.constant 0 : i32
    %dma_start3A_25 = tpu.memref_slice %arg2[%add3A_18, %dma_start3A_24] : memref<8192x1024xf32, #tpu.memory_space<hbm>> -> memref<32x1024xf32, #tpu.memory_space<hbm>>
    %dma_start3A_26 = arith.constant 0 : i32
    %dma_start3A_27 = arith.constant 0 : i32
    %dma_start3A_28 = tpu.memref_slice %arg4[%dma_start3A_19, %dma_start3A_26, %dma_start3A_27] : memref<3x32x1024xf32, #tpu.memory_space<vmem>> -> memref<1x32x1024xf32, #tpu.memory_space<vmem>>
    %dma_start3A_29 = tpu.memref_squeeze %dma_start3A_28 : memref<1x32x1024xf32, #tpu.memory_space<vmem>> -> memref<32x1024xf32, #tpu.memory_space<vmem>>
    %dma_start3A_30 = arith.constant 0 : i32
    %dma_start3A_31 = tpu.memref_slice %arg2[%add3A_18, %dma_start3A_30] : memref<8192x1024xf32, #tpu.memory_space<hbm>> -> memref<32x1024xf32, #tpu.memory_space<hbm>>
    tpu.enqueue_dma source(%dma_start3A_31 : memref<32x1024xf32, #tpu.memory_space<hbm>>) target(%dma_start3A_29 : memref<32x1024xf32, #tpu.memory_space<vmem>>) target_semaphore(%arg5 : memref<!tpu.dma_semaphore, #tpu.memory_space<semaphore_mem>>)
    %scan3A = arith.constant 0 : i32
    %scan3A_32 = arith.constant 0 : i32
    %scan3A_33 = arith.constant 8 : i32
    %scan3A_34 = arith.addi %scan3A_32, %scan3A_33 : i32
    %scan3A_35 = arith.constant 1 : i32
    scf.for %scan3A_81 = %scan3A_32 to %scan3A_34 step %scan3A_35  : i32 {
      %ge3A = arith.constant 1 : i32
      %ge3A_82 = arith.cmpi sge, %scan3A_81, %ge3A : i32
      %add3A_83 = arith.constant 2 : i32
      %add3A_84 = arith.addi %scan3A_81, %add3A_83 : i32
      %lt3A = arith.constant 8 : i32
      %lt3A_85 = arith.cmpi slt, %add3A_84, %lt3A : i32
      %and3A = arith.andi %ge3A_82, %lt3A_85 : i1
      %convert_element_type3A = arith.extui %and3A : i1 to i32
      %cond3A = arith.constant 0 : i32
      %cond3A_86 = arith.cmpi ne, %convert_element_type3A, %cond3A : i32
      scf.if %cond3A_86 {
        %sub3A = arith.constant 1 : i32
        %sub3A_127 = arith.subi %scan3A_81, %sub3A : i32
        %rem3A_128 = arith.constant 3 : i32
        %rem3A_129 = arith.remsi %sub3A_127, %rem3A_128 : i32
        %mul3A_130 = arith.constant 32 : i32
        %mul3A_131 = arith.muli %sub3A_127, %mul3A_130 : i32
        %add3A_132 = arith.addi %mul3A_2, %mul3A_131 : i32
        %dma_wait3A_133 = arith.constant 0 : i32
        %dma_wait3A_134 = arith.constant 0 : i32
        %dma_wait3A_135 = tpu.memref_slice %arg4[%rem3A_129, %dma_wait3A_133, %dma_wait3A_134] : memref<3x32x1024xf32, #tpu.memory_space<vmem>> -> memref<1x32x1024xf32, #tpu.memory_space<vmem>>
        %dma_wait3A_136 = tpu.memref_squeeze %dma_wait3A_135 : memref<1x32x1024xf32, #tpu.memory_space<vmem>> -> memref<32x1024xf32, #tpu.memory_space<vmem>>
        %dma_wait3A_137 = arith.constant 0 : i32
        %dma_wait3A_138 = tpu.memref_slice %arg3[%add3A_132, %dma_wait3A_137] : memref<8192x1024xf32, #tpu.memory_space<hbm>> -> memref<32x1024xf32, #tpu.memory_space<hbm>>
        %dma_wait3A_139 = arith.constant 0 : i32
        %dma_wait3A_140 = tpu.memref_slice %arg3[%add3A_132, %dma_wait3A_139] : memref<8192x1024xf32, #tpu.memory_space<hbm>> -> memref<32x1024xf32, #tpu.memory_space<hbm>>
        %dma_wait3A_141 = arith.constant 0 : i32
        %dma_wait3A_142 = arith.constant 0 : i32
        %dma_wait3A_143 = tpu.memref_slice %arg4[%rem3A_129, %dma_wait3A_141, %dma_wait3A_142] : memref<3x32x1024xf32, #tpu.memory_space<vmem>> -> memref<1x32x1024xf32, #tpu.memory_space<vmem>>
        %dma_wait3A_144 = tpu.memref_squeeze %dma_wait3A_143 : memref<1x32x1024xf32, #tpu.memory_space<vmem>> -> memref<32x1024xf32, #tpu.memory_space<vmem>>
        tpu.wait_dma2 semaphore(%arg6 : memref<!tpu.dma_semaphore, #tpu.memory_space<semaphore_mem>>) src(%dma_wait3A_144 : memref<32x1024xf32, #tpu.memory_space<vmem>>) dst(%dma_wait3A_140 : memref<32x1024xf32, #tpu.memory_space<hbm>>)
      } else {
      }
      %add3A_87 = arith.constant 2 : i32
      %add3A_88 = arith.addi %scan3A_81, %add3A_87 : i32
      %lt3A_89 = arith.constant 8 : i32
      %lt3A_90 = arith.cmpi slt, %add3A_88, %lt3A_89 : i32
      %convert_element_type3A_91 = arith.extui %lt3A_90 : i1 to i32
      %cond3A_92 = arith.constant 0 : i32
      %cond3A_93 = arith.cmpi ne, %convert_element_type3A_91, %cond3A_92 : i32
      scf.if %cond3A_93 {
        %add3A_127 = arith.constant 2 : i32
        %add3A_128 = arith.addi %scan3A_81, %add3A_127 : i32
        %mul3A_129 = arith.constant 32 : i32
        %mul3A_130 = arith.muli %add3A_128, %mul3A_129 : i32
        %add3A_131 = arith.addi %mul3A_2, %mul3A_130 : i32
        %rem3A_132 = arith.constant 3 : i32
        %rem3A_133 = arith.remsi %add3A_128, %rem3A_132 : i32
        %dma_start3A_134 = arith.constant 0 : i32
        %dma_start3A_135 = arith.constant 0 : i32
        %dma_start3A_136 = tpu.memref_slice %arg4[%rem3A_133, %dma_start3A_134, %dma_start3A_135] : memref<3x32x1024xf32, #tpu.memory_space<vmem>> -> memref<1x32x1024xf32, #tpu.memory_space<vmem>>
        %dma_start3A_137 = tpu.memref_squeeze %dma_start3A_136 : memref<1x32x1024xf32, #tpu.memory_space<vmem>> -> memref<32x1024xf32, #tpu.memory_space<vmem>>
        %dma_start3A_138 = arith.constant 0 : i32
        %dma_start3A_139 = tpu.memref_slice %arg2[%add3A_131, %dma_start3A_138] : memref<8192x1024xf32, #tpu.memory_space<hbm>> -> memref<32x1024xf32, #tpu.memory_space<hbm>>
        %dma_start3A_140 = arith.constant 0 : i32
        %dma_start3A_141 = arith.constant 0 : i32
        %dma_start3A_142 = tpu.memref_slice %arg4[%rem3A_133, %dma_start3A_140, %dma_start3A_141] : memref<3x32x1024xf32, #tpu.memory_space<vmem>> -> memref<1x32x1024xf32, #tpu.memory_space<vmem>>
        %dma_start3A_143 = tpu.memref_squeeze %dma_start3A_142 : memref<1x32x1024xf32, #tpu.memory_space<vmem>> -> memref<32x1024xf32, #tpu.memory_space<vmem>>
        %dma_start3A_144 = arith.constant 0 : i32
        %dma_start3A_145 = tpu.memref_slice %arg2[%add3A_131, %dma_start3A_144] : memref<8192x1024xf32, #tpu.memory_space<hbm>> -> memref<32x1024xf32, #tpu.memory_space<hbm>>
        tpu.enqueue_dma source(%dma_start3A_145 : memref<32x1024xf32, #tpu.memory_space<hbm>>) target(%dma_start3A_143 : memref<32x1024xf32, #tpu.memory_space<vmem>>) target_semaphore(%arg5 : memref<!tpu.dma_semaphore, #tpu.memory_space<semaphore_mem>>)
      } else {
      }
      %mul3A_94 = arith.constant 32 : i32
      %mul3A_95 = arith.muli %scan3A_81, %mul3A_94 : i32
      %add3A_96 = arith.addi %mul3A_2, %mul3A_95 : i32
      %rem3A = arith.constant 3 : i32
      %rem3A_97 = arith.remsi %scan3A_81, %rem3A : i32
      %dma_wait3A_98 = arith.constant 0 : i32
      %dma_wait3A_99 = arith.constant 0 : i32
      %dma_wait3A_100 = tpu.memref_slice %arg4[%rem3A_97, %dma_wait3A_98, %dma_wait3A_99] : memref<3x32x1024xf32, #tpu.memory_space<vmem>> -> memref<1x32x1024xf32, #tpu.memory_space<vmem>>
      %dma_wait3A_101 = tpu.memref_squeeze %dma_wait3A_100 : memref<1x32x1024xf32, #tpu.memory_space<vmem>> -> memref<32x1024xf32, #tpu.memory_space<vmem>>
      %dma_wait3A_102 = arith.constant 0 : i32
      %dma_wait3A_103 = tpu.memref_slice %arg2[%add3A_96, %dma_wait3A_102] : memref<8192x1024xf32, #tpu.memory_space<hbm>> -> memref<32x1024xf32, #tpu.memory_space<hbm>>
      %dma_wait3A_104 = arith.constant 0 : i32
      %dma_wait3A_105 = arith.constant 0 : i32
      %dma_wait3A_106 = tpu.memref_slice %arg4[%rem3A_97, %dma_wait3A_104, %dma_wait3A_105] : memref<3x32x1024xf32, #tpu.memory_space<vmem>> -> memref<1x32x1024xf32, #tpu.memory_space<vmem>>
      %dma_wait3A_107 = tpu.memref_squeeze %dma_wait3A_106 : memref<1x32x1024xf32, #tpu.memory_space<vmem>> -> memref<32x1024xf32, #tpu.memory_space<vmem>>
      %dma_wait3A_108 = arith.constant 0 : i32
      %dma_wait3A_109 = tpu.memref_slice %arg2[%add3A_96, %dma_wait3A_108] : memref<8192x1024xf32, #tpu.memory_space<hbm>> -> memref<32x1024xf32, #tpu.memory_space<hbm>>
      tpu.wait_dma2 semaphore(%arg5 : memref<!tpu.dma_semaphore, #tpu.memory_space<semaphore_mem>>) src(%dma_wait3A_109 : memref<32x1024xf32, #tpu.memory_space<hbm>>) dst(%dma_wait3A_107 : memref<32x1024xf32, #tpu.memory_space<vmem>>)
      %rem3A_110 = arith.constant 3 : i32
      %rem3A_111 = arith.remsi %scan3A_81, %rem3A_110 : i32
      %mul3A_112 = arith.constant 32 : i32
      %mul3A_113 = arith.muli %scan3A_81, %mul3A_112 : i32
      %add3A_114 = arith.addi %mul3A_2, %mul3A_113 : i32
      %dma_start3A_115 = arith.constant 0 : i32
      %dma_start3A_116 = arith.constant 0 : i32
      %dma_start3A_117 = tpu.memref_slice %arg4[%rem3A_111, %dma_start3A_115, %dma_start3A_116] : memref<3x32x1024xf32, #tpu.memory_space<vmem>> -> memref<1x32x1024xf32, #tpu.memory_space<vmem>>
      %dma_start3A_118 = tpu.memref_squeeze %dma_start3A_117 : memref<1x32x1024xf32, #tpu.memory_space<vmem>> -> memref<32x1024xf32, #tpu.memory_space<vmem>>
      %dma_start3A_119 = arith.constant 0 : i32
      %dma_start3A_120 = tpu.memref_slice %arg3[%add3A_114, %dma_start3A_119] : memref<8192x1024xf32, #tpu.memory_space<hbm>> -> memref<32x1024xf32, #tpu.memory_space<hbm>>
      %dma_start3A_121 = arith.constant 0 : i32
      %dma_start3A_122 = tpu.memref_slice %arg3[%add3A_114, %dma_start3A_121] : memref<8192x1024xf32, #tpu.memory_space<hbm>> -> memref<32x1024xf32, #tpu.memory_space<hbm>>
      %dma_start3A_123 = arith.constant 0 : i32
      %dma_start3A_124 = arith.constant 0 : i32
      %dma_start3A_125 = tpu.memref_slice %arg4[%rem3A_111, %dma_start3A_123, %dma_start3A_124] : memref<3x32x1024xf32, #tpu.memory_space<vmem>> -> memref<1x32x1024xf32, #tpu.memory_space<vmem>>
      %dma_start3A_126 = tpu.memref_squeeze %dma_start3A_125 : memref<1x32x1024xf32, #tpu.memory_space<vmem>> -> memref<32x1024xf32, #tpu.memory_space<vmem>>
      tpu.enqueue_dma source(%dma_start3A_126 : memref<32x1024xf32, #tpu.memory_space<vmem>>) target(%dma_start3A_122 : memref<32x1024xf32, #tpu.memory_space<hbm>>) target_semaphore(%arg6 : memref<!tpu.dma_semaphore, #tpu.memory_space<semaphore_mem>>)
    }
    %scan3A_36 = arith.constant 8 : i32
    %add3A_37 = arith.constant 0 : i32
    %add3A_38 = arith.addi %mul3A_2, %add3A_37 : i32
    %dma_wait3A = arith.constant 0 : i32
    %dma_wait3A_39 = arith.constant 0 : i32
    %dma_wait3A_40 = arith.constant 0 : i32
    %dma_wait3A_41 = tpu.memref_slice %arg4[%dma_wait3A, %dma_wait3A_39, %dma_wait3A_40] : memref<3x32x1024xf32, #tpu.memory_space<vmem>> -> memref<1x32x1024xf32, #tpu.memory_space<vmem>>
    %dma_wait3A_42 = tpu.memref_squeeze %dma_wait3A_41 : memref<1x32x1024xf32, #tpu.memory_space<vmem>> -> memref<32x1024xf32, #tpu.memory_space<vmem>>
    %dma_wait3A_43 = arith.constant 0 : i32
    %dma_wait3A_44 = tpu.memref_slice %arg3[%add3A_38, %dma_wait3A_43] : memref<8192x1024xf32, #tpu.memory_space<hbm>> -> memref<32x1024xf32, #tpu.memory_space<hbm>>
    %dma_wait3A_45 = arith.constant 0 : i32
    %dma_wait3A_46 = tpu.memref_slice %arg3[%add3A_38, %dma_wait3A_45] : memref<8192x1024xf32, #tpu.memory_space<hbm>> -> memref<32x1024xf32, #tpu.memory_space<hbm>>
    %dma_wait3A_47 = arith.constant 0 : i32
    %dma_wait3A_48 = arith.constant 0 : i32
    %dma_wait3A_49 = tpu.memref_slice %arg4[%dma_wait3A, %dma_wait3A_47, %dma_wait3A_48] : memref<3x32x1024xf32, #tpu.memory_space<vmem>> -> memref<1x32x1024xf32, #tpu.memory_space<vmem>>
    %dma_wait3A_50 = tpu.memref_squeeze %dma_wait3A_49 : memref<1x32x1024xf32, #tpu.memory_space<vmem>> -> memref<32x1024xf32, #tpu.memory_space<vmem>>
    tpu.wait_dma2 semaphore(%arg6 : memref<!tpu.dma_semaphore, #tpu.memory_space<semaphore_mem>>) src(%dma_wait3A_50 : memref<32x1024xf32, #tpu.memory_space<vmem>>) dst(%dma_wait3A_46 : memref<32x1024xf32, #tpu.memory_space<hbm>>)
    %add3A_51 = arith.constant 0 : i32
    %add3A_52 = arith.addi %mul3A_2, %add3A_51 : i32
    %dma_wait3A_53 = arith.constant 0 : i32
    %dma_wait3A_54 = arith.constant 0 : i32
    %dma_wait3A_55 = arith.constant 0 : i32
    %dma_wait3A_56 = tpu.memref_slice %arg4[%dma_wait3A_53, %dma_wait3A_54, %dma_wait3A_55] : memref<3x32x1024xf32, #tpu.memory_space<vmem>> -> memref<1x32x1024xf32, #tpu.memory_space<vmem>>
    %dma_wait3A_57 = tpu.memref_squeeze %dma_wait3A_56 : memref<1x32x1024xf32, #tpu.memory_space<vmem>> -> memref<32x1024xf32, #tpu.memory_space<vmem>>
    %dma_wait3A_58 = arith.constant 0 : i32
    %dma_wait3A_59 = tpu.memref_slice %arg3[%add3A_52, %dma_wait3A_58] : memref<8192x1024xf32, #tpu.memory_space<hbm>> -> memref<32x1024xf32, #tpu.memory_space<hbm>>
    %dma_wait3A_60 = arith.constant 0 : i32
    %dma_wait3A_61 = tpu.memref_slice %arg3[%add3A_52, %dma_wait3A_60] : memref<8192x1024xf32, #tpu.memory_space<hbm>> -> memref<32x1024xf32, #tpu.memory_space<hbm>>
    %dma_wait3A_62 = arith.constant 0 : i32
    %dma_wait3A_63 = arith.constant 0 : i32
    %dma_wait3A_64 = tpu.memref_slice %arg4[%dma_wait3A_53, %dma_wait3A_62, %dma_wait3A_63] : memref<3x32x1024xf32, #tpu.memory_space<vmem>> -> memref<1x32x1024xf32, #tpu.memory_space<vmem>>
    %dma_wait3A_65 = tpu.memref_squeeze %dma_wait3A_64 : memref<1x32x1024xf32, #tpu.memory_space<vmem>> -> memref<32x1024xf32, #tpu.memory_space<vmem>>
    tpu.wait_dma2 semaphore(%arg6 : memref<!tpu.dma_semaphore, #tpu.memory_space<semaphore_mem>>) src(%dma_wait3A_65 : memref<32x1024xf32, #tpu.memory_space<vmem>>) dst(%dma_wait3A_61 : memref<32x1024xf32, #tpu.memory_space<hbm>>)
    %add3A_66 = arith.constant 0 : i32
    %add3A_67 = arith.addi %mul3A_2, %add3A_66 : i32
    %dma_wait3A_68 = arith.constant 0 : i32
    %dma_wait3A_69 = arith.constant 0 : i32
    %dma_wait3A_70 = arith.constant 0 : i32
    %dma_wait3A_71 = tpu.memref_slice %arg4[%dma_wait3A_68, %dma_wait3A_69, %dma_wait3A_70] : memref<3x32x1024xf32, #tpu.memory_space<vmem>> -> memref<1x32x1024xf32, #tpu.memory_space<vmem>>
    %dma_wait3A_72 = tpu.memref_squeeze %dma_wait3A_71 : memref<1x32x1024xf32, #tpu.memory_space<vmem>> -> memref<32x1024xf32, #tpu.memory_space<vmem>>
    %dma_wait3A_73 = arith.constant 0 : i32
    %dma_wait3A_74 = tpu.memref_slice %arg3[%add3A_67, %dma_wait3A_73] : memref<8192x1024xf32, #tpu.memory_space<hbm>> -> memref<32x1024xf32, #tpu.memory_space<hbm>>
    %dma_wait3A_75 = arith.constant 0 : i32
    %dma_wait3A_76 = tpu.memref_slice %arg3[%add3A_67, %dma_wait3A_75] : memref<8192x1024xf32, #tpu.memory_space<hbm>> -> memref<32x1024xf32, #tpu.memory_space<hbm>>
    %dma_wait3A_77 = arith.constant 0 : i32
    %dma_wait3A_78 = arith.constant 0 : i32
    %dma_wait3A_79 = tpu.memref_slice %arg4[%dma_wait3A_68, %dma_wait3A_77, %dma_wait3A_78] : memref<3x32x1024xf32, #tpu.memory_space<vmem>> -> memref<1x32x1024xf32, #tpu.memory_space<vmem>>
    %dma_wait3A_80 = tpu.memref_squeeze %dma_wait3A_79 : memref<1x32x1024xf32, #tpu.memory_space<vmem>> -> memref<32x1024xf32, #tpu.memory_space<vmem>>
    tpu.wait_dma2 semaphore(%arg6 : memref<!tpu.dma_semaphore, #tpu.memory_space<semaphore_mem>>) src(%dma_wait3A_80 : memref<32x1024xf32, #tpu.memory_space<vmem>>) dst(%dma_wait3A_76 : memref<32x1024xf32, #tpu.memory_space<hbm>>)
    return
  }
}

</mosaic_0001>

<sc_bundles>
// kernel: kernel.3.cloned.1.call-start
scs
__scs_entry_jumppad:
0x0: {  	(pc) =	sbr.rel $0x88, $3  }
0x1: {  	(tag) =	ssettag $0x0;
	lr =	simm.s32 $0x1  }
0x2: {  	[smem:$0x3FA0] =	sst lr;
	_ =	strace $0xD0000000  }
0x3: {  	_ = 	snop  }
0x4: {  	_ = 	snop  }
0x5: {  	_ = 	snop  }
0x6: {  	_ = 	snop  }
0x7: {  	_ = 	snop  }
__scs_overlays_trampoline_lowered:
0x8: {  	[smem:$0x3FAF] =	sst s0  }
0x9: {  	[smem:$0x3FB0] =	sst s1  }
0xa: {  	[smem:$0x3FB1] =	sst s2  }
0xb: {  	[smem:$0x3FB2] =	sst s3  }
0xc: {  	[smem:$0x3FB3] =	sst s4  }
0xd: {  	[smem:$0x3FB4] =	sst s5  }
0xe: {  	[smem:$0x3FB5] =	sst s6  }
0xf: {  	[smem:$0x3FB6] =	sst s7  }
0x10: {  	[smem:$0x3FB7] =	sst s8  }
0x11: {  	[smem:$0x3FB8] =	sst s9;
	s0 =	simm.s32 @!p0 $0x0  }
0x12: {  	s1 =	sld [smem:$0x3F9E];
	s0 =	simm.s32 @p0 $0x1  }
0x13: {  	[smem:$0x3FB9] =	sst s0;
	s0 =	simm.s32 @!p1 $0x0  }
0x14: {  	s2 =	sld [smem:$0x3F9D];
	s0 =	simm.s32 @p1 $0x1  }
0x15: {  	[smem:$0x3FBA] =	sst s0;
	s0 =	simm.s32 @!p2 $0x0  }
0x16: {  	s3 =	sld [smem:$0x3FDB];
	s0 =	simm.s32 @p2 $0x1  }
0x17: {  	s4 =	simm.s32 $0x1BF5;
	[smem:$0x3FBC] =	sst s0  }
0x18: {  	s0 =	sld [smem:$0x3F9F];
	_ =	swait.ge [sflag:s4], $0x0  }
0x19: {  	s7 =	sld [smem:$0x3FA0]  }
0x1a: {  	s8 =	sadd.s32 $0xFFFFE003, lr  }
0x1b: {  	s9 =	sadd.s32 $0xFFFFFEF7, lr;
	s5 =	simm.s32 $0xFFFFFFFF;
	p2 =	slt.u32 s8, $0xFFFFF086  }
0x1c: {  	p1 =	slt.u32 s9, $0xF7A;
	s5 =	simm.s32 @!p2 $0x0  }
0x1d: {  	s5 =	simm.s32 @p1 $0x1;
	p0 =	seq.s32 s7, s2  }
0x1e: {  	s7 =	smul.u32 @!p0 $0xF7A, s2;
	p2 =	seq.s32 @!p0 s5, $0x0  }
0x1f: {  	s9 =	smul.u32 $0xF7A, s1;
	s8 =	simm.s32 @!p0 $0x1BF5;
	p2 =	por !p2, p0  }
0x20: {  	[sflag:s8] =	ssyncset.s32 @!p0 $0xFFFFF086;
	s6 =	sadd.s32 @!p0 s3, s7;
	s7 =	simm.s32 @!p0 $0x108  }
0x21: {  	s3 =	sadd.s32 s3, s9;
	s6 =	sadd.s32 @!p0 $0x88, s6;
	s7 =	simm.s32 @p2 $0x1082  }
0x22: {  	[simem:s7], [sflag:s8] =	dma.local @!p0 [hbm:s6], $0xF7A  }
0x23: {  	s9 =	sor.u32 $0xD0000000, s2;
	s6 =	simm.s32 $0x108;
	_ =	swait.ge @!p0 [sflag:s8], $0x0  }
0x24: {  	s3 =	sadd.s32 $0x88, s3;
	s6 =	simm.s32 @!p1 $0x1082;
	[sflag:s4] =	ssyncset.s32 $0xFFFFF086  }
0x25: {  	[simem:s6], [sflag:s4] =	dma.local [hbm:s3], $0xF7A  }
0x26: {  	[smem:$0x3FA0] =	sst s1;
	(tag) =	ssettag s2;
	_ =	strace s9  }
0x27: {  	s1 =	sld [smem:$0x3FB0]  }
0x28: {  	s2 =	sld [smem:$0x3FB1]  }
0x29: {  	s4 =	sld [smem:$0x3FB3]  }
0x2a: {  	p0 =	seq.s32 s5, $0x0;
	s5 =	sld [smem:$0x3FB4]  }
0x2b: {  	s6 =	sld [smem:$0x3FB5]  }
0x2c: {  	s7 =	sld [smem:$0x3FB6]  }
0x2d: {  	s3 =	simm.s32 $0x108;
	s8 =	sld [smem:$0x3FB7]  }
0x2e: {  	s3 =	simm.s32 @!p0 $0x1082;
	s9 =	sld [smem:$0x3FB8]  }
0x2f: {  	lr =	sadd.s32 s0, s3;
	s0 =	sld [smem:$0x3FAF]  }
0x30: {  	s3 =	sld [smem:$0x3FB2]  }
0x31: {  	[smem:$0x3FBB] =	sst s10  }
0x32: {  	s10 =	sld [smem:$0x3FB9];
	_ =	sdelay $0x3  }
0x33: {  	p0 =	seq.s32 s10, $0x1;
	s10 =	sld [smem:$0x3FBB];
	_ =	sdelay $0x3  }
0x34: {  	[smem:$0x3FBB] =	sst s10  }
0x35: {  	s10 =	sld [smem:$0x3FBA];
	_ =	sdelay $0x3  }
0x36: {  	p1 =	seq.s32 s10, $0x1;
	s10 =	sld [smem:$0x3FBB];
	_ =	sdelay $0x3  }
0x37: {  	[smem:$0x3FBB] =	sst s10  }
0x38: {  	s10 =	sld [smem:$0x3FBC]  }
0x39: {  	_ = 	snop;
	(pc) =	sbr.ind lr, $3  }
0x3a: {  	_ = 	snop  }
0x3b: {  	_ = 	snop  }
0x3c: {  	p2 =	seq.s32 s10, $0x1;
	s10 =	sld [smem:$0x3FBB]  }
0x3d: {  	_ =	shalt  }
0x3e: {  	_ =	shalt  }
0x3f: {  	_ =	shalt  }
0x40: {  	_ =	shalt  }
0x41: {  	_ =	shalt  }
0x42: {  	_ =	shalt  }
0x43: {  	_ =	shalt  }
0x44: {  	_ =	shalt  }
0x45: {  	_ =	shalt  }
0x46: {  	_ =	shalt  }
0x47: {  	_ =	shalt  }
0x48: {  	_ =	shalt  }
0x49: {  	_ =	shalt  }
0x4a: {  	_ =	shalt  }
0x4b: {  	_ =	shalt  }
0x4c: {  	_ =	shalt  }
0x4d: {  	_ =	shalt  }
0x4e: {  	_ =	shalt  }
0x4f: {  	_ =	shalt  }
0x50: {  	_ =	shalt  }
0x51: {  	_ =	shalt  }
0x52: {  	_ =	shalt  }
0x53: {  	_ =	shalt  }
0x54: {  	_ =	shalt  }
0x55: {  	_ =	shalt  }
0x56: {  	_ =	shalt  }
0x57: {  	_ =	shalt  }
0x58: {  	_ =	shalt  }
0x59: {  	_ =	shalt  }
0x5a: {  	_ =	shalt  }
0x5b: {  	_ =	shalt  }
0x5c: {  	_ =	shalt  }
0x5d: {  	_ =	shalt  }
0x5e: {  	_ =	shalt  }
0x5f: {  	_ =	shalt  }
0x60: {  	_ =	shalt  }
0x61: {  	_ =	shalt  }
0x62: {  	_ =	shalt  }
0x63: {  	_ =	shalt  }
0x64: {  	_ =	shalt  }
0x65: {  	_ =	shalt  }
0x66: {  	_ =	shalt  }
0x67: {  	_ =	shalt  }
0x68: {  	_ =	shalt  }
0x69: {  	_ =	shalt  }
0x6a: {  	_ =	shalt  }
0x6b: {  	_ =	shalt  }
0x6c: {  	_ =	shalt  }
0x6d: {  	_ =	shalt  }
0x6e: {  	_ =	shalt  }
0x6f: {  	_ =	shalt  }
0x70: {  	_ =	shalt  }
0x71: {  	_ =	shalt  }
0x72: {  	_ =	shalt  }
0x73: {  	_ =	shalt  }
0x74: {  	_ =	shalt  }
0x75: {  	_ =	shalt  }
0x76: {  	_ =	shalt  }
0x77: {  	_ =	shalt  }
0x78: {  	_ =	shalt  }
0x79: {  	_ =	shalt  }
0x7a: {  	_ =	shalt  }
0x7b: {  	_ =	shalt  }
0x7c: {  	_ =	shalt  }
0x7d: {  	_ =	shalt  }
0x7e: {  	_ =	shalt  }
0x7f: {  	_ =	shalt  }
0x80: {  	_ =	shalt  }
0x81: {  	_ =	shalt  }
0x82: {  	_ =	shalt  }
0x83: {  	_ =	shalt  }
0x84: {  	_ =	shalt  }
0x85: {  	_ =	shalt  }
0x86: {  	_ =	shalt  }
0x87: {  	_ =	shalt  }
.Lfunc_end0:
.L_simem_size_0:
called_computation_lowered:
.L_overlay_start_0:
0x88: {  	s2 =	sld [smem:$0x3FD9]  }
0x89: {  	s3 =	sld [smem:$0x3FFE];
	_ =	sdelay $0x1  }
0x8a: {  	s1 =	srdreg.scid  }
0x8b: {  	s0 =	sand.u32 $0x1, s1  }
0x8c: {  	s18 =	sshll.u32 s0, $0xA;
	s2 =	sadd.s32 s3, s2  }
0x8d: {  	s2 =	sadd.s32 s2, s18  }
0x8e: {  	[smem:$0x3FC7] =	sst s2  }
0x8f: {  	_ = 	snop  }
0x90: {  	s2 =	sld [smem:$0x3FC9]  }
0x91: {  	s19 =	sld [smem:$0x3FD0];
	(tm) =	ssettm $0x1  }
0x92: {  	s4 =	sld [smem:$0x3FFB];
	_ =	sdelay $0x3  }
0x93: {  	_ =	strace s4  }
0x94: {  	s4 =	sld [smem:$0x3FFC];
	_ =	sdelay $0x3  }
0x95: {  	_ =	strace s4  }
0x96: {  	s4 =	sld [smem:$0x3FFD];
	_ =	sdelay $0x3  }
0x97: {  	_ =	strace s4  }
0x98: {  	_ =	strace $0x8FFFFFFF  }
0x99: {  	s20 =	sld [smem:$0x3FDB];
	_ =	sdelay $0x1  }
0x9a: {  	s5 =	simm.s32 $_scs_section_size  }
0x9b: {  	s6 =	simm.s32 $_size__tile_overlayer_lowered;
	s7 =	simm.s32 $_tile_overlayer_lowered  }
0x9c: {  	s23 =	simm.s32 $0x1BFF;
	s22 =	sshll.u32 s7, $0x1;
	s4 =	sadd.s32 s5, s20  }
0x9d: {  	s8 =	simm.s32 $0x0;
	s21 =	sshll.u32 s6, $0x1;
	s6 =	sadd.s32 s22, s4  }
0x9e: {  	[timem:s8], [sflag:s23] =	dma.local [hbm:s6], s21  }
0x9f: {  	_ =	swait.ge [sflag:s23], s21  }
0xa0: {  	s5 =	ssub.s32 $0x0, s21;
	[sflag:s23] =	ssyncset.done $0x0  }
0xa1: {  	[sflag:s23] =	ssyncadd.s32 s5;
	_ =	sdelay $0x1  }
0xa2: {  	s24 =	simm.s32 $0x1B8B  }
0xa3: {  	_ =	swait.ge [sflag:s24], $0x1  }
0xa4: {  	[sflag:s24] =	ssyncset.done $0x0  }
0xa5: {  	s25 =	simm.s32 $0x1B8E;
	[sflag:s24] =	ssyncadd.s32 $0xFFFFFFFF  }
0xa6: {  	s26 =	simm.s32 $execute0_lowered;
	[smem:$0x3FD2] =	sst s25  }
0xa7: {  	s5 =	sshll.u32 s26, $0x1;
	_ =	strace $0x80000046;
	[dreg:$0x1] =	wrdreg $0xFFFFFFFF  }
0xa8: {  	s28 =	simm.s32 $_size_execute0_lowered;
	s4 =	sadd.s32 s4, s5;
	[dreg:$0x0] =	wrdreg $0x0  }
0xa9: {  	s5 =	sshll.u32 s28, $0x1;
	[dreg:$0x2] =	wrdreg s4  }
0xaa: {  	[dreg:$0x3] =	wrdreg s5  }
0xab: {  	[dreg:$0x4] =	wrdreg $0xC0  }
0xac: {  	_ =	task [dreg:s8], $0x5FFFF  }
0xad: {  	[dreg:$0x1] =	wrdreg $0xFFFFFFFF  }
0xae: {  	[dreg:$0x0] =	wrdreg $0x60  }
0xaf: {  	[dreg:$0x2] =	wrdreg s2  }
0xb0: {  	[dreg:$0x3] =	wrdreg s19  }
0xb1: {  	[dreg:$0x4] =	wrdreg $0x9  }
0xb2: {  	_ =	task.clear_ibuf [dreg:s8], $0x5FFFF;
	_ =	strace $0x90000046  }
0xb3: {  	s29 =	simm.s32 $0x9;
	_ =	strace $0x80000048  }
0xb4: {  	_ =	swait.ge [sflag:s29], $0x1  }
0xb5: {  	[sflag:s29] =	ssyncadd.s32 $0xFFFFFFFF  }
0xb6: {  	_ =	strace $0x90000048  }
0xb7: {  	_ =	sfence  }
0xb8: {  	s30 =	sld [smem:$0x0];
	_ =	sdelay $0x2  }
0xb9: {  	s31 =	sshll.u32 s1, $0xD;
	s1 =	sshrl.u32 s1, $0x2  }
0xba: {  	s3 =	sand.u32 $0x4000, s31;
	s1 =	sadd.s32 s1, s30  }
0xbb: {  	s0 =	sor.u32 s3, s0;
	s1 =	sshll.u32 s1, $0x11  }
0xbc: {  	s0 =	sor.u32 s1, s0  }
0xbd: {  	s0 =	sadd.s32 $0x8F2B, s0  }
0xbe: {  	[sflag:s0] =	ssyncadd.remote.s32 $0x1  }
0xbf: {  	_ =	sfence.sel $0xFFFF  }
0xc0: {  	[dreg:$0x0] =	wrdreg $0xFFFFFFFF;
	(pc) =	sbr.abs _section_cstart, $3  }
0xc1: {  	[dreg:$0x1] =	wrdreg $0xFFFFFFFF  }
0xc2: {  	_ =	task.clear_ibuf [dreg:s8], $0x2FFFF;
	_ =	strace $0x9FFFFFFF  }
0xc3: {  	(tm) =	ssettm $0x7FFFFFFF  }
tec
execute0_lowered:
.L_overlay_start_1:
0x0: {  	(tag) =	ssettag $0x1  }
0x1: {  	s3 =	rddreg [dreg:$0x0];
	s2 =	srdreg.scid  }
0x2: {  	s9 =	rddreg [dreg:$0x1];
	s1 =	stileid.u32;
	s23 =	sand.u32 $0x1, s2  }
0x3: {  	s2 =	simm.s32 $0x0;
	s4 =	sshll.u32 s1, $0x10;
	s5 =	sshll.u32 s23, $0xF  }
0x4: {  	[smem:$0x7FF] =	sst s2;
	s10 =	sor.u32 s5, s4  }
0x5: {  	s0 =	rddreg [dreg:$0x2];
	_ =	strace $0x80000047;
	s3 =	sadd.s32 s3, s10  }
0x6: {  	[tilespmem:s2], [sflag:$0x1] =	stream.linear.gather [hbm4b:s3+s2], $0x8000, $0x38;
	[tilespmem:$0x18000] =	vst v63  }
0x7: {  	s5 =	simm.s32 $0x8000;
	s4 =	sadd.s32 $0x1000, s3  }
0x8: {  	[tilespmem:s5], [sflag:$0x1] =	stream.linear.gather [hbm4b:s4+s2], $0x8000, $0x38;
	[tilespmem:$0x18000] =	vst v63  }
0x9: {  	s7 =	simm.s32 $0x10000;
	s8 =	simm.s32 $0x1;
	s6 =	sadd.s32 $0x2000, s3  }
0xa: {  	[tilespmem:s7], [sflag:$0x1] =	stream.linear.gather [hbm4b:s6+s2], $0x8000, $0x38;
	[tilespmem:$0x18000] =	vst v63  }
0xb: {  	_ =	swait.ge [sflag:s8], $0x8000  }
0xc: {  	[sflag:s8] =	ssyncset.done $0x0  }
0xd: {  	s10 =	sadd.s32 s9, s10;
	s9 =	simm.s32 $0x2;
	[sflag:s8] =	ssyncadd.s32 $0xFFFF8000  }
0xe: {  	[hbm4b:s10+s2] =	stream.linear.scatter [tilespmem:s2], [sflag:$0x2], $0x8000, $0x38;
	[tilespmem:$0x18000] =	vst v63  }
0xf: {  	_ =	swait.ge [sflag:s9], $0x8000  }
0x10: {  	[sflag:s9] =	ssyncset.done $0x0  }
0x11: {  	s11 =	sadd.s32 $0x3000, s3;
	[sflag:s9] =	ssyncadd.s32 $0xFFFF8000  }
0x12: {  	[tilespmem:s2], [sflag:$0x1] =	stream.linear.gather [hbm4b:s11+s2], $0x8000, $0x38;
	[tilespmem:$0x18000] =	vst v63  }
0x13: {  	_ =	swait.ge [sflag:s8], $0x8000  }
0x14: {  	[sflag:s8] =	ssyncset.done $0x0  }
0x15: {  	s12 =	sadd.s32 $0x1000, s10;
	[sflag:s8] =	ssyncadd.s32 $0xFFFF8000  }
0x16: {  	[hbm4b:s12+s2] =	stream.linear.scatter [tilespmem:s5], [sflag:$0x2], $0x8000, $0x38;
	[tilespmem:$0x18000] =	vst v63  }
0x17: {  	_ =	swait.ge [sflag:s9], $0x8000  }
0x18: {  	[sflag:s9] =	ssyncset.done $0x0  }
0x19: {  	s13 =	sadd.s32 $0x4000, s3;
	[sflag:s9] =	ssyncadd.s32 $0xFFFF8000  }
0x1a: {  	[tilespmem:s5], [sflag:$0x1] =	stream.linear.gather [hbm4b:s13+s2], $0x8000, $0x38;
	[tilespmem:$0x18000] =	vst v63  }
0x1b: {  	_ =	swait.ge [sflag:s8], $0x8000  }
0x1c: {  	[sflag:s8] =	ssyncset.done $0x0  }
0x1d: {  	s14 =	sadd.s32 $0x2000, s10;
	[sflag:s8] =	ssyncadd.s32 $0xFFFF8000  }
0x1e: {  	[hbm4b:s14+s2] =	stream.linear.scatter [tilespmem:s7], [sflag:$0x2], $0x8000, $0x38;
	[tilespmem:$0x18000] =	vst v63  }
0x1f: {  	_ =	swait.ge [sflag:s9], $0x8000  }
0x20: {  	[sflag:s9] =	ssyncset.done $0x0  }
0x21: {  	s15 =	sadd.s32 $0x5000, s3;
	[sflag:s9] =	ssyncadd.s32 $0xFFFF8000  }
0x22: {  	[tilespmem:s7], [sflag:$0x1] =	stream.linear.gather [hbm4b:s15+s2], $0x8000, $0x38;
	[tilespmem:$0x18000] =	vst v63  }
0x23: {  	_ =	swait.ge [sflag:s8], $0x8000  }
0x24: {  	[sflag:s8] =	ssyncset.done $0x0  }
0x25: {  	s16 =	sadd.s32 $0x3000, s10;
	[sflag:s8] =	ssyncadd.s32 $0xFFFF8000  }
0x26: {  	[hbm4b:s16+s2] =	stream.linear.scatter [tilespmem:s2], [sflag:$0x2], $0x8000, $0x38;
	[tilespmem:$0x18000] =	vst v63  }
0x27: {  	_ =	swait.ge [sflag:s9], $0x8000  }
0x28: {  	[sflag:s9] =	ssyncset.done $0x0  }
0x29: {  	s17 =	sadd.s32 $0x6000, s3;
	[sflag:s9] =	ssyncadd.s32 $0xFFFF8000  }
0x2a: {  	[tilespmem:s2], [sflag:$0x1] =	stream.linear.gather [hbm4b:s17+s2], $0x8000, $0x38;
	[tilespmem:$0x18000] =	vst v63  }
0x2b: {  	_ =	swait.ge [sflag:s8], $0x8000  }
0x2c: {  	[sflag:s8] =	ssyncset.done $0x0  }
0x2d: {  	s18 =	sadd.s32 $0x4000, s10;
	[sflag:s8] =	ssyncadd.s32 $0xFFFF8000  }
0x2e: {  	[hbm4b:s18+s2] =	stream.linear.scatter [tilespmem:s5], [sflag:$0x2], $0x8000, $0x38;
	[tilespmem:$0x18000] =	vst v63  }
0x2f: {  	_ =	swait.ge [sflag:s9], $0x8000  }
0x30: {  	[sflag:s9] =	ssyncset.done $0x0  }
0x31: {  	s19 =	sadd.s32 $0x7000, s3;
	[sflag:s9] =	ssyncadd.s32 $0xFFFF8000  }
0x32: {  	[tilespmem:s5], [sflag:$0x1] =	stream.linear.gather [hbm4b:s19+s2], $0x8000, $0x38;
	[tilespmem:$0x18000] =	vst v63  }
0x33: {  	_ =	swait.ge [sflag:s8], $0x8000  }
0x34: {  	[sflag:s8] =	ssyncset.done $0x0  }
0x35: {  	s20 =	sadd.s32 $0x5000, s10;
	[sflag:s8] =	ssyncadd.s32 $0xFFFF8000  }
0x36: {  	[hbm4b:s20+s2] =	stream.linear.scatter [tilespmem:s7], [sflag:$0x2], $0x8000, $0x38;
	[tilespmem:$0x18000] =	vst v63  }
0x37: {  	_ =	swait.ge [sflag:s8], $0x8000  }
0x38: {  	[sflag:s8] =	ssyncset.done $0x0  }
0x39: {  	s21 =	sadd.s32 $0x6000, s10;
	[sflag:s8] =	ssyncadd.s32 $0xFFFF8000  }
0x3a: {  	[hbm4b:s21+s2] =	stream.linear.scatter [tilespmem:s2], [sflag:$0x2], $0x8000, $0x38;
	[tilespmem:$0x18000] =	vst v63  }
0x3b: {  	_ =	swait.ge [sflag:s8], $0x8000  }
0x3c: {  	s23 =	ssub.s32 $0x2, s23;
	[sflag:s8] =	ssyncset.done $0x0  }
0x3d: {  	s24 =	sshrl.u32 s23, $0x1;
	s22 =	sadd.s32 $0x7000, s10;
	[sflag:s8] =	ssyncadd.s32 $0xFFFF8000  }
0x3e: {  	[hbm4b:s22+s2] =	stream.linear.scatter [tilespmem:s5], [sflag:$0x2], $0x8000, $0x38;
	[tilespmem:$0x18000] =	vst v63  }
0x3f: {  	s23 =	ssub.s32 s23, s24;
	_ =	swait.ge [sflag:s9], $0x8000  }
0x40: {  	s23 =	smax.u32 s23, $0x1;
	[sflag:s9] =	ssyncset.done $0x0  }
0x41: {  	p0 =	sne.s32 s23, $0x1;
	[sflag:s9] =	ssyncadd.s32 $0xFFFF8000  }
.Ltmp0:
0x42: {  	_ =	swait.ge [sflag:s9], $0x8000;
	(pc) =	sbr.rel @!p0 .LBB2_2-.Ltmp0, $4  }
0x43: {  	[sflag:s9] =	ssyncset.done $0x0  }
0x44: {  	[sflag:s9] =	ssyncadd.s32 $0xFFFF8000  }
0x45: {  	_ =	swait.ge [sflag:s9], $0x8000  }
0x46: {  	s23 =	sadd.s32 $0xFFFFFFFF, s23;
	[sflag:s9] =	ssyncset.done $0x0  }
.LBB2_1:
0x47: {  	p0 =	sne.s32 s23, $0x1;
	s23 =	sadd.s32 $0xFFFFFFFF, s23;
	[sflag:s9] =	ssyncadd.s32 $0xFFFF8000  }
0x48: {  	[tilespmem:s2], [sflag:$0x1] =	stream.linear.gather [hbm4b:s3+s2], $0x8000, $0x38;
	[tilespmem:$0x18000] =	vst v63  }
0x49: {  	_ = 	snop  }
0x4a: {  	[tilespmem:s5], [sflag:$0x1] =	stream.linear.gather [hbm4b:s4+s2], $0x8000, $0x38;
	[tilespmem:$0x18000] =	vst v63  }
0x4b: {  	_ = 	snop  }
0x4c: {  	[tilespmem:s7], [sflag:$0x1] =	stream.linear.gather [hbm4b:s6+s2], $0x8000, $0x38;
	[tilespmem:$0x18000] =	vst v63  }
0x4d: {  	_ =	swait.ge [sflag:s8], $0x8000  }
0x4e: {  	[sflag:s8] =	ssyncset.done $0x0  }
0x4f: {  	[sflag:s8] =	ssyncadd.s32 $0xFFFF8000  }
0x50: {  	[hbm4b:s10+s2] =	stream.linear.scatter [tilespmem:s2], [sflag:$0x2], $0x8000, $0x38;
	[tilespmem:$0x18000] =	vst v63  }
0x51: {  	_ =	swait.ge [sflag:s9], $0x8000  }
0x52: {  	[sflag:s9] =	ssyncset.done $0x0  }
0x53: {  	[sflag:s9] =	ssyncadd.s32 $0xFFFF8000  }
0x54: {  	[tilespmem:s2], [sflag:$0x1] =	stream.linear.gather [hbm4b:s11+s2], $0x8000, $0x38;
	[tilespmem:$0x18000] =	vst v63  }
0x55: {  	_ =	swait.ge [sflag:s8], $0x8000  }
0x56: {  	[sflag:s8] =	ssyncset.done $0x0  }
0x57: {  	[sflag:s8] =	ssyncadd.s32 $0xFFFF8000  }
0x58: {  	[hbm4b:s12+s2] =	stream.linear.scatter [tilespmem:s5], [sflag:$0x2], $0x8000, $0x38;
	[tilespmem:$0x18000] =	vst v63  }
0x59: {  	_ =	swait.ge [sflag:s9], $0x8000  }
0x5a: {  	[sflag:s9] =	ssyncset.done $0x0  }
0x5b: {  	[sflag:s9] =	ssyncadd.s32 $0xFFFF8000  }
0x5c: {  	[tilespmem:s5], [sflag:$0x1] =	stream.linear.gather [hbm4b:s13+s2], $0x8000, $0x38;
	[tilespmem:$0x18000] =	vst v63  }
0x5d: {  	_ =	swait.ge [sflag:s8], $0x8000  }
0x5e: {  	[sflag:s8] =	ssyncset.done $0x0  }
0x5f: {  	[sflag:s8] =	ssyncadd.s32 $0xFFFF8000  }
0x60: {  	[hbm4b:s14+s2] =	stream.linear.scatter [tilespmem:s7], [sflag:$0x2], $0x8000, $0x38;
	[tilespmem:$0x18000] =	vst v63  }
0x61: {  	_ =	swait.ge [sflag:s9], $0x8000  }
0x62: {  	[sflag:s9] =	ssyncset.done $0x0  }
0x63: {  	[sflag:s9] =	ssyncadd.s32 $0xFFFF8000  }
0x64: {  	[tilespmem:s7], [sflag:$0x1] =	stream.linear.gather [hbm4b:s15+s2], $0x8000, $0x38;
	[tilespmem:$0x18000] =	vst v63  }
0x65: {  	_ =	swait.ge [sflag:s8], $0x8000  }
0x66: {  	[sflag:s8] =	ssyncset.done $0x0  }
0x67: {  	[sflag:s8] =	ssyncadd.s32 $0xFFFF8000  }
0x68: {  	[hbm4b:s16+s2] =	stream.linear.scatter [tilespmem:s2], [sflag:$0x2], $0x8000, $0x38;
	[tilespmem:$0x18000] =	vst v63  }
0x69: {  	_ =	swait.ge [sflag:s9], $0x8000  }
0x6a: {  	[sflag:s9] =	ssyncset.done $0x0  }
0x6b: {  	[sflag:s9] =	ssyncadd.s32 $0xFFFF8000  }
0x6c: {  	[tilespmem:s2], [sflag:$0x1] =	stream.linear.gather [hbm4b:s17+s2], $0x8000, $0x38;
	[tilespmem:$0x18000] =	vst v63  }
0x6d: {  	_ =	swait.ge [sflag:s8], $0x8000  }
0x6e: {  	[sflag:s8] =	ssyncset.done $0x0  }
0x6f: {  	[sflag:s8] =	ssyncadd.s32 $0xFFFF8000  }
0x70: {  	[hbm4b:s18+s2] =	stream.linear.scatter [tilespmem:s5], [sflag:$0x2], $0x8000, $0x38;
	[tilespmem:$0x18000] =	vst v63  }
0x71: {  	_ =	swait.ge [sflag:s9], $0x8000  }
0x72: {  	[sflag:s9] =	ssyncset.done $0x0  }
0x73: {  	[sflag:s9] =	ssyncadd.s32 $0xFFFF8000  }
0x74: {  	[tilespmem:s5], [sflag:$0x1] =	stream.linear.gather [hbm4b:s19+s2], $0x8000, $0x38;
	[tilespmem:$0x18000] =	vst v63  }
0x75: {  	_ =	swait.ge [sflag:s8], $0x8000  }
0x76: {  	[sflag:s8] =	ssyncset.done $0x0  }
0x77: {  	[sflag:s8] =	ssyncadd.s32 $0xFFFF8000  }
0x78: {  	[hbm4b:s20+s2] =	stream.linear.scatter [tilespmem:s7], [sflag:$0x2], $0x8000, $0x38;
	[tilespmem:$0x18000] =	vst v63  }
0x79: {  	_ =	swait.ge [sflag:s8], $0x8000  }
0x7a: {  	[sflag:s8] =	ssyncset.done $0x0  }
0x7b: {  	[sflag:s8] =	ssyncadd.s32 $0xFFFF8000  }
0x7c: {  	[hbm4b:s21+s2] =	stream.linear.scatter [tilespmem:s2], [sflag:$0x2], $0x8000, $0x38;
	[tilespmem:$0x18000] =	vst v63  }
0x7d: {  	_ =	swait.ge [sflag:s8], $0x8000  }
0x7e: {  	[sflag:s8] =	ssyncset.done $0x0  }
0x7f: {  	[sflag:s8] =	ssyncadd.s32 $0xFFFF8000  }
0x80: {  	[hbm4b:s22+s2] =	stream.linear.scatter [tilespmem:s5], [sflag:$0x2], $0x8000, $0x38;
	[tilespmem:$0x18000] =	vst v63  }
0x81: {  	_ =	swait.ge [sflag:s9], $0x8000  }
0x82: {  	[sflag:s9] =	ssyncset.done $0x0  }
0x83: {  	[sflag:s9] =	ssyncadd.s32 $0xFFFF8000  }
.Ltmp1:
0x84: {  	_ =	swait.ge [sflag:s9], $0x8000;
	(pc) =	sbr.rel @p0 .LBB2_1-.Ltmp1, $4  }
0x85: {  	[sflag:s9] =	ssyncset.done $0x0  }
0x86: {  	[sflag:s9] =	ssyncadd.s32 $0xFFFF8000  }
0x87: {  	_ =	swait.ge [sflag:s9], $0x8000  }
0x88: {  	[sflag:s9] =	ssyncset.done $0x0  }
.LBB2_2:
0x89: {  	[sflag:s9] =	ssyncadd.s32 $0xFFFF8000  }
0x8a: {  	_ =	sfence.sel $0x180000  }
0x8b: {  	[bflag:$0x0] =	sbarrier.arrive $0xFFFF  }
0x8c: {  	p0 =	sne.s32 s1, $0x0;
	_ =	strace $0x90000047  }
0x8d: {  	s0 =	sadd.s32 @!p0 $0x100000, s0;
	[bflag:$0x2] =	sbarrier.arrive $0xFFFF  }
0x8e: {  	[sflag:s0] =	ssyncadd.tile.s32 @!p0 $0x1;
	_ =	shalt  }
.Lfunc_end2:
_tile_overlayer_lowered:
.L_overlay_start_2:
0x8f: {  	(tag) =	ssettag $0x2  }
0x90: {  	s0 =	rddreg [dreg:$0x0];
	s2 =	stileid.u32  }
0x91: {  	s1 =	rddreg [dreg:$0x1];
	p0 =	sne.s32 s2, $0x0  }
0x92: {  	s3 =	rddreg [dreg:$0x2];
	[bflag:$0x3] =	sbarrier.arrive $0xFFFF;
	s2 =	simm.s32 @!p0 $0x1C03  }
0x93: {  	[timem:s3], [sflag:s2] =	dma.local @!p0 [hbm:s0], s1  }
0x94: {  	s0 =	simm.s32 @!p0 $0x3  }
0x95: {  	_ =	swait.ge @!p0 [sflag:s0], s1  }
0x96: {  	s1 =	ssub.s32 @!p0 $0x0, s1;
	[sflag:s0] =	ssyncset.done @!p0 $0x0  }
0x97: {  	[sflag:s0] =	ssyncadd.s32 @!p0 s1  }
0x98: {  	[bflag:$0x3] =	sbarrier.arrive $0xFFFF  }
0x99: {  	_ =	shalt  }

</sc_bundles>
